<compile_context>
chip_gen: v7x
topology: tpu7x:2x2x1
jax: 0.10.2.dev20260603
libtpu: 0.0.44.dev20260713+nightly
codegen_flags: <defaults>
</compile_context>

<pallas_src>
import functools

import jax
import jax.numpy as jnp
from jax import lax
from jax.experimental import pallas as pl
from jax.experimental.pallas import tpu as pltpu
from jax.experimental.pallas import tpu_sc as plsc

NUM_CLASSES = 100000
FEAT_DIM = 128
BATCH = 4096

_NC = 2
_NS = 16
_NW = _NC * _NS
_L = 16
_BPW = BATCH // _NW
_CHUNKS = FEAT_DIM // _L
_CHUNK_ROWS = (32, 96)
_GCH = len(_CHUNK_ROWS)


def _sc_partials(label, feat, centers):
    mesh = plsc.VectorSubcoreMesh(core_axis_name="c", subcore_axis_name="s", num_cores=1)

    @functools.partial(
        pl.kernel,
        out_type=jax.ShapeDtypeStruct((_NW // 8, 8 * _L), jnp.float32),
        mesh=mesh,
        scratch_types=[
            pltpu.VMEM((_BPW,), jnp.int32),
            pltpu.VMEM((_BPW, FEAT_DIM), jnp.float32),
            pltpu.VMEM((_BPW, FEAT_DIM), jnp.float32),
            pltpu.VMEM((_L,), jnp.float32),
        ] + [pltpu.SemaphoreType.DMA] * (3 * _GCH),
    )
    def k(label_hbm, feat_hbm, centers_hbm, out_hbm, idx_v, rows_v, feat_v,
          acc_v, *sems):
        wid = lax.axis_index("s") * _NC + lax.axis_index("c")
        base = wid * _BPW

        acc_v[...] = jnp.zeros((_L,), jnp.float32)
        pltpu.sync_copy(acc_v, out_hbm.at[wid // 8, pl.ds((wid % 8) * _L, _L)])

    return k(label, feat, centers)


def _tc_reduce(partials):
    def red(x_ref, o_ref):
        o_ref[...] = (jnp.sum(x_ref[...]) * 0.5).reshape(1, 1)

    return pl.pallas_call(
        red,
        out_shape=jax.ShapeDtypeStruct((1, 1), jnp.float32),
    )(partials)


@jax.jit
def kernel(label, feat, centers):
    label = label.astype(jnp.int32)
    partials = _sc_partials(label, feat, centers)
    return _tc_reduce(partials).reshape(())

# --- scband reference (transcript-rebuilt; emitter-appended) ---
"""Pipeline reference for scband-center-loss-9732395893307 (READ-ONLY COPY).

The authoritative reference and input builder live on the scoring server;
editing this copy changes nothing except your own understanding.
"""

import jax, jax.numpy as jnp
import numpy as np

NUM_CLASSES = 100000
FEAT_DIM = 128
BATCH = 4096

def setup_inputs(seed: int = 0) -> dict:
    key = jax.random.key(seed)
    k1, k2, k3 = jax.random.split(key, 3)
    label = jax.random.randint(k1, (BATCH,), 0, NUM_CLASSES).astype(jnp.int64)
    feat = jax.random.normal(k2, (BATCH, FEAT_DIM), dtype=jnp.float32)
    centers = jax.random.normal(k3, (NUM_CLASSES, FEAT_DIM), dtype=jnp.float32)
    return {"label": label, "feat": feat, "centers": centers}

def reference(label, feat, centers):
    # feat.view(B,1,1,-1).squeeze() is a no-op for [B, feat_dim]
    batch_size = feat.shape[0]
    feat = feat.reshape(batch_size, -1)
    # centers.index_select(0, label)
    centers_batch = jnp.take(centers, label, axis=0)
    # ((feature - centers_batch)**2).sum(1).sum(0) / 2
    loss = jnp.sum(jnp.sum((feat - centers_batch) ** 2, axis=1), axis=0) / 2.0
    return loss

if __name__ == "__main__":
    import jax
    _d = setup_inputs()
    print(jax.jit(kernel)(*tuple(_d.values())))

</pallas_src>

<mosaic_0001>
#map = affine_map<(d0, d1) -> (0)>
#map1 = affine_map<(d0, d1) -> (0, 0)>
module attributes {stable_mosaic.version = 14 : i64} {
  func.func @k(%arg0: i32, %arg1: i32, %arg2: memref<4096xi32, #tpu.memory_space<hbm>>, %arg3: memref<4096x128xf32, #tpu.memory_space<hbm>>, %arg4: memref<100000x128xf32, #tpu.memory_space<hbm>>, %arg5: memref<4x128xf32, #tpu.memory_space<hbm>>, %arg6: memref<128xi32, #tpu.memory_space<vmem>>, %arg7: memref<128x128xf32, #tpu.memory_space<vmem>>, %arg8: memref<128x128xf32, #tpu.memory_space<vmem>>, %arg9: memref<16xf32, #tpu.memory_space<vmem>>, %arg10: memref<!tpu.dma_semaphore, #tpu.memory_space<semaphore_mem>>, %arg11: memref<!tpu.dma_semaphore, #tpu.memory_space<semaphore_mem>>, %arg12: memref<!tpu.dma_semaphore, #tpu.memory_space<semaphore_mem>>, %arg13: memref<!tpu.dma_semaphore, #tpu.memory_space<semaphore_mem>>, %arg14: memref<!tpu.dma_semaphore, #tpu.memory_space<semaphore_mem>>, %arg15: memref<!tpu.dma_semaphore, #tpu.memory_space<semaphore_mem>>) attributes {dimension_semantics = [#tpu.dimension_semantics<core_parallel>, #tpu.dimension_semantics<subcore_parallel>], iteration_bounds = array<i64: 1, 16>, scalar_prefetch = 0 : i64, scratch_operands = 10 : i64, tpu.core_type = #tpu.core_type<sc_vector_subcore>, window_params = [{transform_indices = #map}, {transform_indices = #map1}, {transform_indices = #map1}, {transform_indices = #map1}]} {
    %mul3A = arith.constant 2 : i32
    %mul3A_0 = arith.muli %arg1, %mul3A : i32
    %add3A = arith.addi %mul3A_0, %arg0 : i32
    %mul3A_1 = arith.constant 128 : i32
    %mul3A_2 = arith.muli %add3A, %mul3A_1 : i32
    %broadcast_in_dim3A = arith.constant 0.000000e+00 : f32
    %broadcast_in_dim3A_3 = vector.broadcast %broadcast_in_dim3A : f32 to vector<16xf32>
    %swap3A = arith.constant 0 : index
    %swap3A_4 = tpu.vector_load %arg9[%swap3A] {strides = array<i32>} : memref<16xf32, #tpu.memory_space<vmem>>, vector<16xf32>,
    %swap3A_5 = vector.shape_cast %swap3A_4 : vector<16xf32> to vector<16xf32>
    %swap3A_6 = vector.shape_cast %broadcast_in_dim3A_3 : vector<16xf32> to vector<16xf32>
    tpu.vector_store %arg9[%swap3A], %swap3A_6 {strides = array<i32>} : memref<16xf32, #tpu.memory_space<vmem>>, vector<16xf32>,
    %jit3A = arith.constant 8 : i32
    %div3A = arith.divsi %add3A, %jit3A : i32
    %sign3A = arith.constant 0 : i32
    %sign3A_7 = arith.cmpi sgt, %add3A, %sign3A : i32
    %sign3A_8 = arith.extui %sign3A_7 : i1 to i32
    %sign3A_9 = arith.constant 0 : i32
    %sign3A_10 = arith.cmpi slt, %add3A, %sign3A_9 : i32
    %sign3A_11 = arith.extui %sign3A_10 : i1 to i32
    %sign3A_12 = arith.subi %sign3A_8, %sign3A_11 : i32
    %sign3A_13 = arith.constant 0 : i32
    %sign3A_14 = arith.cmpi sgt, %jit3A, %sign3A_13 : i32
    %sign3A_15 = arith.extui %sign3A_14 : i1 to i32
    %sign3A_16 = arith.constant 0 : i32
    %sign3A_17 = arith.cmpi slt, %jit3A, %sign3A_16 : i32
    %sign3A_18 = arith.extui %sign3A_17 : i1 to i32
    %sign3A_19 = arith.subi %sign3A_15, %sign3A_18 : i32
    %ne3A = arith.cmpi ne, %sign3A_12, %sign3A_19 : i32
    %rem3A = arith.remsi %add3A, %jit3A : i32
    %ne3A_20 = arith.constant 0 : i32
    %ne3A_21 = arith.cmpi ne, %rem3A, %ne3A_20 : i32
    %and3A = arith.andi %ne3A, %ne3A_21 : i1
    %sub3A = arith.constant 1 : i32
    %sub3A_22 = arith.subi %div3A, %sub3A : i32
    %select_n3A = arith.select %and3A, %sub3A_22, %div3A : i32
    %jit3A_23 = arith.constant 8 : i32
    %eq3A = arith.constant 0 : i32
    %eq3A_24 = arith.cmpi eq, %jit3A_23, %eq3A : i32
    %jit3A_25 = arith.constant 1 : i32
    %select_n3A_26 = arith.select %eq3A_24, %jit3A_25, %jit3A_23 : i32
    %rem3A_27 = arith.remsi %add3A, %select_n3A_26 : i32
    %ne3A_28 = arith.constant 0 : i32
    %ne3A_29 = arith.cmpi ne, %rem3A_27, %ne3A_28 : i32
    %lt3A = arith.constant 0 : i32
    %lt3A_30 = arith.cmpi slt, %rem3A_27, %lt3A : i32
    %lt3A_31 = arith.constant 0 : i32
    %lt3A_32 = arith.cmpi slt, %select_n3A_26, %lt3A_31 : i32
    %ne3A_33 = arith.xori %lt3A_30, %lt3A_32 : i1
    %and3A_34 = arith.andi %ne3A_33, %ne3A_29 : i1
    %add3A_35 = arith.addi %rem3A_27, %select_n3A_26 : i32
    %select_n3A_36 = arith.select %and3A_34, %add3A_35, %rem3A_27 : i32
    %mul3A_37 = arith.constant 16 : i32
    %mul3A_38 = arith.muli %select_n3A_36, %mul3A_37 : i32
    "tpu.region"() ({
      %run_scoped3A = tpu.sem_alloc : memref<!tpu.dma_semaphore, #tpu.memory_space<semaphore_mem>>
      %dma_start3A = tpu.memref_slice %arg5[%select_n3A, %mul3A_38] : memref<4x128xf32, #tpu.memory_space<hbm>> -> memref<1x16xf32, #tpu.memory_space<hbm>>
      %dma_start3A_39 = tpu.memref_squeeze %dma_start3A : memref<1x16xf32, #tpu.memory_space<hbm>> -> memref<16xf32, #tpu.memory_space<hbm>>
      %dma_start3A_40 = tpu.memref_slice %arg5[%select_n3A, %mul3A_38] : memref<4x128xf32, #tpu.memory_space<hbm>> -> memref<1x16xf32, #tpu.memory_space<hbm>>
      %dma_start3A_41 = tpu.memref_squeeze %dma_start3A_40 : memref<1x16xf32, #tpu.memory_space<hbm>> -> memref<16xf32, #tpu.memory_space<hbm>>
      tpu.enqueue_dma source(%arg9 : memref<16xf32, #tpu.memory_space<vmem>>) target(%dma_start3A_41 : memref<16xf32, #tpu.memory_space<hbm>>) target_semaphore(%run_scoped3A : memref<!tpu.dma_semaphore, #tpu.memory_space<semaphore_mem>>)
      %dma_wait3A = tpu.memref_slice %arg5[%select_n3A, %mul3A_38] : memref<4x128xf32, #tpu.memory_space<hbm>> -> memref<1x16xf32, #tpu.memory_space<hbm>>
      %dma_wait3A_42 = tpu.memref_squeeze %dma_wait3A : memref<1x16xf32, #tpu.memory_space<hbm>> -> memref<16xf32, #tpu.memory_space<hbm>>
      %dma_wait3A_43 = tpu.memref_slice %arg5[%select_n3A, %mul3A_38] : memref<4x128xf32, #tpu.memory_space<hbm>> -> memref<1x16xf32, #tpu.memory_space<hbm>>
      %dma_wait3A_44 = tpu.memref_squeeze %dma_wait3A_43 : memref<1x16xf32, #tpu.memory_space<hbm>> -> memref<16xf32, #tpu.memory_space<hbm>>
      tpu.wait_dma2 semaphore(%run_scoped3A : memref<!tpu.dma_semaphore, #tpu.memory_space<semaphore_mem>>) src(%arg9 : memref<16xf32, #tpu.memory_space<vmem>>) dst(%dma_wait3A_44 : memref<16xf32, #tpu.memory_space<hbm>>)
      tpu.yield
    }) : () -> ()
    return
  }
}

module attributes {stable_mosaic.version = 14 : i64} {
  func.func @red(%arg0: memref<4x128xf32, #tpu.memory_space<vmem>>, %arg1: memref<1x1xf32, #tpu.memory_space<vmem>>) attributes {dimension_semantics = [], scalar_prefetch = 0 : i64, scratch_operands = 0 : i64, tpu.core_type = #tpu.core_type<tc>} {
    %get3A = arith.constant 0 : index
    %get3A_0 = arith.constant 0 : index
    %get3A_1 = vector.load %arg0[%get3A, %get3A_0] : memref<4x128xf32, #tpu.memory_space<vmem>>, vector<4x128xf32>
    %reduce_sum3A = vector.shape_cast %get3A_1 : vector<4x128xf32> to vector<1x4x128xf32>
    %reduce_sum3A_2 = arith.constant dense<0.000000e+00> : vector<1xf32>
    %reduce_sum3A_3 = vector.multi_reduction <add>, %reduce_sum3A, %reduce_sum3A_2 [1, 2] : vector<1x4x128xf32> to vector<1xf32>
    %reduce_sum3A_4 = vector.shape_cast %reduce_sum3A_3 : vector<1xf32> to vector<1x1x1xf32>
    %reduce_sum3A_5 = vector.extract %reduce_sum3A_4[0, 0, 0] : f32 from vector<1x1x1xf32>
    %mul3A = arith.constant 5.000000e-01 : f32
    %mul3A_6 = arith.mulf %reduce_sum3A_5, %mul3A : f32
    %reshape3A = vector.broadcast %mul3A_6 : f32 to vector<1x1xf32>
    %swap3A = arith.constant 0 : index
    %swap3A_7 = arith.constant 0 : index
    %swap3A_8 = vector.load %arg1[%swap3A, %swap3A_7] : memref<1x1xf32, #tpu.memory_space<vmem>>, vector<1x1xf32>
    tpu.vector_store %arg1[%swap3A, %swap3A_7], %reshape3A {strides = array<i32>} : memref<1x1xf32, #tpu.memory_space<vmem>>, vector<1x1xf32>,
    return
  }
}

</mosaic_0001>

<sc_bundles>
// kernel: kernel.4.cloned.1.call-start
scs
__scs_entry_jumppad:
0x0: {  	(pc) =	sbr.rel $0x88, $3  }
0x1: {  	(tag) =	ssettag $0x0;
	lr =	simm.s32 $0x1  }
0x2: {  	[smem:$0x3F9E] =	sst lr;
	_ =	strace $0xD0000000  }
0x3: {  	_ = 	snop  }
0x4: {  	_ = 	snop  }
0x5: {  	_ = 	snop  }
0x6: {  	_ = 	snop  }
0x7: {  	_ = 	snop  }
__scs_overlays_trampoline_lowered:
0x8: {  	[smem:$0x3FAD] =	sst s0  }
0x9: {  	[smem:$0x3FAE] =	sst s1  }
0xa: {  	[smem:$0x3FAF] =	sst s2  }
0xb: {  	[smem:$0x3FB0] =	sst s3  }
0xc: {  	[smem:$0x3FB1] =	sst s4  }
0xd: {  	[smem:$0x3FB2] =	sst s5  }
0xe: {  	[smem:$0x3FB3] =	sst s6  }
0xf: {  	[smem:$0x3FB4] =	sst s7  }
0x10: {  	[smem:$0x3FB5] =	sst s8  }
0x11: {  	[smem:$0x3FB6] =	sst s9;
	s0 =	simm.s32 @!p0 $0x0  }
0x12: {  	s1 =	sld [smem:$0x3F9C];
	s0 =	simm.s32 @p0 $0x1  }
0x13: {  	[smem:$0x3FB7] =	sst s0;
	s0 =	simm.s32 @!p1 $0x0  }
0x14: {  	s2 =	sld [smem:$0x3F9B];
	s0 =	simm.s32 @p1 $0x1  }
0x15: {  	[smem:$0x3FB8] =	sst s0;
	s0 =	simm.s32 @!p2 $0x0  }
0x16: {  	s3 =	sld [smem:$0x3FDB];
	s0 =	simm.s32 @p2 $0x1  }
0x17: {  	s4 =	simm.s32 $0x1BF5;
	[smem:$0x3FBA] =	sst s0  }
0x18: {  	s0 =	sld [smem:$0x3F9D];
	_ =	swait.ge [sflag:s4], $0x0  }
0x19: {  	s7 =	sld [smem:$0x3F9E]  }
0x1a: {  	s8 =	sadd.s32 $0xFFFFE003, lr  }
0x1b: {  	s9 =	sadd.s32 $0xFFFFFEF7, lr;
	s5 =	simm.s32 $0xFFFFFFFF;
	p2 =	slt.u32 s8, $0xFFFFF086  }
0x1c: {  	p1 =	slt.u32 s9, $0xF7A;
	s5 =	simm.s32 @!p2 $0x0  }
0x1d: {  	s5 =	simm.s32 @p1 $0x1;
	p0 =	seq.s32 s7, s2  }
0x1e: {  	s7 =	smul.u32 @!p0 $0xF7A, s2;
	p2 =	seq.s32 @!p0 s5, $0x0  }
0x1f: {  	s9 =	smul.u32 $0xF7A, s1;
	s8 =	simm.s32 @!p0 $0x1BF5;
	p2 =	por !p2, p0  }
0x20: {  	[sflag:s8] =	ssyncset.s32 @!p0 $0xFFFFF086;
	s6 =	sadd.s32 @!p0 s3, s7;
	s7 =	simm.s32 @!p0 $0x108  }
0x21: {  	s3 =	sadd.s32 s3, s9;
	s6 =	sadd.s32 @!p0 $0x88, s6;
	s7 =	simm.s32 @p2 $0x1082  }
0x22: {  	[simem:s7], [sflag:s8] =	dma.local @!p0 [hbm:s6], $0xF7A  }
0x23: {  	s9 =	sor.u32 $0xD0000000, s2;
	s6 =	simm.s32 $0x108;
	_ =	swait.ge @!p0 [sflag:s8], $0x0  }
0x24: {  	s3 =	sadd.s32 $0x88, s3;
	s6 =	simm.s32 @!p1 $0x1082;
	[sflag:s4] =	ssyncset.s32 $0xFFFFF086  }
0x25: {  	[simem:s6], [sflag:s4] =	dma.local [hbm:s3], $0xF7A  }
0x26: {  	[smem:$0x3F9E] =	sst s1;
	(tag) =	ssettag s2;
	_ =	strace s9  }
0x27: {  	s1 =	sld [smem:$0x3FAE]  }
0x28: {  	s2 =	sld [smem:$0x3FAF]  }
0x29: {  	s4 =	sld [smem:$0x3FB1]  }
0x2a: {  	p0 =	seq.s32 s5, $0x0;
	s5 =	sld [smem:$0x3FB2]  }
0x2b: {  	s6 =	sld [smem:$0x3FB3]  }
0x2c: {  	s7 =	sld [smem:$0x3FB4]  }
0x2d: {  	s3 =	simm.s32 $0x108;
	s8 =	sld [smem:$0x3FB5]  }
0x2e: {  	s3 =	simm.s32 @!p0 $0x1082;
	s9 =	sld [smem:$0x3FB6]  }
0x2f: {  	lr =	sadd.s32 s0, s3;
	s0 =	sld [smem:$0x3FAD]  }
0x30: {  	s3 =	sld [smem:$0x3FB0]  }
0x31: {  	[smem:$0x3FB9] =	sst s10  }
0x32: {  	s10 =	sld [smem:$0x3FB7];
	_ =	sdelay $0x3  }
0x33: {  	p0 =	seq.s32 s10, $0x1;
	s10 =	sld [smem:$0x3FB9];
	_ =	sdelay $0x3  }
0x34: {  	[smem:$0x3FB9] =	sst s10  }
0x35: {  	s10 =	sld [smem:$0x3FB8];
	_ =	sdelay $0x3  }
0x36: {  	p1 =	seq.s32 s10, $0x1;
	s10 =	sld [smem:$0x3FB9];
	_ =	sdelay $0x3  }
0x37: {  	[smem:$0x3FB9] =	sst s10  }
0x38: {  	s10 =	sld [smem:$0x3FBA]  }
0x39: {  	_ = 	snop;
	(pc) =	sbr.ind lr, $3  }
0x3a: {  	_ = 	snop  }
0x3b: {  	_ = 	snop  }
0x3c: {  	p2 =	seq.s32 s10, $0x1;
	s10 =	sld [smem:$0x3FB9]  }
0x3d: {  	_ =	shalt  }
0x3e: {  	_ =	shalt  }
0x3f: {  	_ =	shalt  }
0x40: {  	_ =	shalt  }
0x41: {  	_ =	shalt  }
0x42: {  	_ =	shalt  }
0x43: {  	_ =	shalt  }
0x44: {  	_ =	shalt  }
0x45: {  	_ =	shalt  }
0x46: {  	_ =	shalt  }
0x47: {  	_ =	shalt  }
0x48: {  	_ =	shalt  }
0x49: {  	_ =	shalt  }
0x4a: {  	_ =	shalt  }
0x4b: {  	_ =	shalt  }
0x4c: {  	_ =	shalt  }
0x4d: {  	_ =	shalt  }
0x4e: {  	_ =	shalt  }
0x4f: {  	_ =	shalt  }
0x50: {  	_ =	shalt  }
0x51: {  	_ =	shalt  }
0x52: {  	_ =	shalt  }
0x53: {  	_ =	shalt  }
0x54: {  	_ =	shalt  }
0x55: {  	_ =	shalt  }
0x56: {  	_ =	shalt  }
0x57: {  	_ =	shalt  }
0x58: {  	_ =	shalt  }
0x59: {  	_ =	shalt  }
0x5a: {  	_ =	shalt  }
0x5b: {  	_ =	shalt  }
0x5c: {  	_ =	shalt  }
0x5d: {  	_ =	shalt  }
0x5e: {  	_ =	shalt  }
0x5f: {  	_ =	shalt  }
0x60: {  	_ =	shalt  }
0x61: {  	_ =	shalt  }
0x62: {  	_ =	shalt  }
0x63: {  	_ =	shalt  }
0x64: {  	_ =	shalt  }
0x65: {  	_ =	shalt  }
0x66: {  	_ =	shalt  }
0x67: {  	_ =	shalt  }
0x68: {  	_ =	shalt  }
0x69: {  	_ =	shalt  }
0x6a: {  	_ =	shalt  }
0x6b: {  	_ =	shalt  }
0x6c: {  	_ =	shalt  }
0x6d: {  	_ =	shalt  }
0x6e: {  	_ =	shalt  }
0x6f: {  	_ =	shalt  }
0x70: {  	_ =	shalt  }
0x71: {  	_ =	shalt  }
0x72: {  	_ =	shalt  }
0x73: {  	_ =	shalt  }
0x74: {  	_ =	shalt  }
0x75: {  	_ =	shalt  }
0x76: {  	_ =	shalt  }
0x77: {  	_ =	shalt  }
0x78: {  	_ =	shalt  }
0x79: {  	_ =	shalt  }
0x7a: {  	_ =	shalt  }
0x7b: {  	_ =	shalt  }
0x7c: {  	_ =	shalt  }
0x7d: {  	_ =	shalt  }
0x7e: {  	_ =	shalt  }
0x7f: {  	_ =	shalt  }
0x80: {  	_ =	shalt  }
0x81: {  	_ =	shalt  }
0x82: {  	_ =	shalt  }
0x83: {  	_ =	shalt  }
0x84: {  	_ =	shalt  }
0x85: {  	_ =	shalt  }
0x86: {  	_ =	shalt  }
0x87: {  	_ =	shalt  }
.Lfunc_end0:
.L_simem_size_0:
called_computation_lowered:
.L_overlay_start_0:
0x88: {  	s0 =	sld [smem:$0x3FD9]  }
0x89: {  	s1 =	sld [smem:$0x3FFE];
	_ =	sdelay $0x3  }
0x8a: {  	s0 =	sadd.s32 s1, s0  }
0x8b: {  	[smem:$0x3FC5] =	sst s0  }
0x8c: {  	_ = 	snop  }
0x8d: {  	(tm) =	ssettm $0x1  }
0x8e: {  	s15 =	sld [smem:$0x3FFB];
	_ =	sdelay $0x3  }
0x8f: {  	_ =	strace s15  }
0x90: {  	s0 =	sld [smem:$0x3FFC];
	_ =	sdelay $0x3  }
0x91: {  	_ =	strace s0  }
0x92: {  	s0 =	sld [smem:$0x3FFD];
	_ =	sdelay $0x3  }
0x93: {  	_ =	strace s0  }
0x94: {  	_ =	strace $0x8FFFFFFF  }
0x95: {  	s16 =	sld [smem:$0x3FDB];
	_ =	sdelay $0x1  }
0x96: {  	s17 =	simm.s32 $_scs_section_size  }
0x97: {  	s2 =	simm.s32 $_size__tile_overlayer_lowered;
	s3 =	simm.s32 $_tile_overlayer_lowered  }
0x98: {  	s20 =	simm.s32 $0x1BFF;
	s19 =	sshll.u32 s3, $0x1;
	s0 =	sadd.s32 s17, s16  }
0x99: {  	s4 =	simm.s32 $0x0;
	s18 =	sshll.u32 s2, $0x1;
	s2 =	sadd.s32 s19, s0  }
0x9a: {  	[timem:s4], [sflag:s20] =	dma.local [hbm:s2], s18  }
0x9b: {  	_ =	swait.ge [sflag:s20], s18  }
0x9c: {  	s1 =	ssub.s32 $0x0, s18;
	[sflag:s20] =	ssyncset.done $0x0  }
0x9d: {  	[sflag:s20] =	ssyncadd.s32 s1;
	_ =	sdelay $0x1  }
0x9e: {  	s21 =	simm.s32 $0x1B8B  }
0x9f: {  	_ =	swait.ge [sflag:s21], $0x1  }
0xa0: {  	[sflag:s21] =	ssyncset.done $0x0  }
0xa1: {  	s23 =	simm.s32 $0x1B8E;
	s22 =	sld [smem:$0x3FFE];
	[sflag:s21] =	ssyncadd.s32 $0xFFFFFFFF  }
0xa2: {  	s24 =	simm.s32 $execute0_lowered;
	[smem:$0x3FD2] =	sst s23  }
0xa3: {  	s2 =	sshll.u32 s24, $0x1;
	_ =	strace $0x80000046;
	[dreg:$0x1] =	wrdreg $0xFFFFFFFF  }
0xa4: {  	s25 =	simm.s32 $_size_execute0_lowered;
	s0 =	sadd.s32 s0, s2;
	[dreg:$0x0] =	wrdreg $0x0  }
0xa5: {  	s2 =	sshll.u32 s25, $0x1;
	[dreg:$0x2] =	wrdreg s0  }
0xa6: {  	[dreg:$0x3] =	wrdreg s2  }
0xa7: {  	[dreg:$0x4] =	wrdreg $0xC0  }
0xa8: {  	_ =	task [dreg:s4], $0x5FFFF  }
0xa9: {  	[dreg:$0x1] =	wrdreg $0xFFFFFFFF  }
0xaa: {  	[dreg:$0x0] =	wrdreg $0x60  }
0xab: {  	[dreg:$0x2] =	wrdreg s22  }
0xac: {  	[dreg:$0x3] =	wrdreg $0x9  }
0xad: {  	_ =	task.clear_ibuf [dreg:s4], $0x4FFFF;
	_ =	strace $0x90000046  }
0xae: {  	s26 =	simm.s32 $0x9;
	_ =	strace $0x80000048  }
0xaf: {  	_ =	swait.ge [sflag:s26], $0x1  }
0xb0: {  	[sflag:s26] =	ssyncadd.s32 $0xFFFFFFFF  }
0xb1: {  	_ =	strace $0x90000048  }
0xb2: {  	_ =	sfence  }
0xb3: {  	s28 =	sld [smem:$0x0];
	_ =	sdelay $0x1  }
0xb4: {  	s29 =	srdreg.scid  }
0xb5: {  	s30 =	sshll.u32 s29, $0xD;
	s31 =	sshrl.u32 s29, $0x2  }
0xb6: {  	s1 =	sand.u32 $0x1, s29;
	s2 =	sand.u32 $0x4000, s30;
	s0 =	sadd.s32 s31, s28  }
0xb7: {  	s1 =	sor.u32 s2, s1;
	s0 =	sshll.u32 s0, $0x11  }
0xb8: {  	s0 =	sor.u32 s0, s1  }
0xb9: {  	s0 =	sadd.s32 $0x8F2B, s0  }
0xba: {  	[sflag:s0] =	ssyncadd.remote.s32 $0x1  }
0xbb: {  	_ =	sfence.sel $0xFFFF  }
0xbc: {  	[dreg:$0x0] =	wrdreg $0xFFFFFFFF;
	(pc) =	sbr.abs _section_cstart, $3  }
0xbd: {  	[dreg:$0x1] =	wrdreg $0xFFFFFFFF  }
0xbe: {  	_ =	task.clear_ibuf [dreg:s4], $0x2FFFF;
	_ =	strace $0x9FFFFFFF  }
0xbf: {  	(tm) =	ssettm $0x7FFFFFFF  }
tec
execute0_lowered:
.L_overlay_start_1:
0x0: {  	(tag) =	ssettag $0x1  }
0x1: {  	s0 =	stileid.u32  }
0x2: {  	s1 =	rddreg [dreg:$0x0];
	s2 =	sshll.u32 s0, $0x2  }
0x3: {  	s3 =	rddreg [dreg:$0x1];
	s5 =	sand.u32 $0xC, s2  }
0x4: {  	s4 =	simm.s32 $0x0;
	s2 =	sand.u32 $0x30, s2;
	s1 =	sadd.s32 s5, s1  }
0x5: {  	v0 =	vimm.f32 $0.0e+00;
	[smem:$0x7FF] =	sst s4;
	s1 =	sadd.s32 s2, s1  }
0x6: {  	s31 =	simm.s32 $0x1;
	_ =	strace $0x80000047;
	[tilespmem:$0x0] =	vst v0;
	s1 =	sadd.s32 $0x600, s1  }
0x7: {  	[hbm4b:s1+s4] =	stream.linear.scatter [tilespmem:s4], [sflag:$0x1], $0x10, $0x38;
	[tilespmem:$0x80] =	vst v63  }
0x8: {  	_ =	swait.ge [sflag:s31], $0x10  }
0x9: {  	[sflag:s31] =	ssyncset.done $0x0  }
0xa: {  	[sflag:s31] =	ssyncadd.s32 $0xFFFFFFF0  }
0xb: {  	_ =	sfence.sel $0x180000  }
0xc: {  	[bflag:$0x0] =	sbarrier.arrive $0xFFFF  }
0xd: {  	p0 =	sne.s32 s0, $0x0;
	_ =	strace $0x90000047  }
0xe: {  	s0 =	sadd.s32 @!p0 $0x100000, s3;
	[bflag:$0x2] =	sbarrier.arrive $0xFFFF  }
0xf: {  	[sflag:s0] =	ssyncadd.tile.s32 @!p0 $0x1;
	_ =	shalt  }
.Lfunc_end2:
_tile_overlayer_lowered:
.L_overlay_start_2:
0x10: {  	(tag) =	ssettag $0x2  }
0x11: {  	s0 =	rddreg [dreg:$0x0];
	s2 =	stileid.u32  }
0x12: {  	s1 =	rddreg [dreg:$0x1];
	p0 =	sne.s32 s2, $0x0  }
0x13: {  	s3 =	rddreg [dreg:$0x2];
	[bflag:$0x3] =	sbarrier.arrive $0xFFFF;
	s2 =	simm.s32 @!p0 $0x1C01  }
0x14: {  	[timem:s3], [sflag:s2] =	dma.local @!p0 [hbm:s0], s1  }
0x15: {  	s0 =	simm.s32 @!p0 $0x1  }
0x16: {  	_ =	swait.ge @!p0 [sflag:s0], s1  }
0x17: {  	s1 =	ssub.s32 @!p0 $0x0, s1;
	[sflag:s0] =	ssyncset.done @!p0 $0x0  }
0x18: {  	[sflag:s0] =	ssyncadd.s32 @!p0 s1  }
0x19: {  	[bflag:$0x3] =	sbarrier.arrive $0xFFFF  }
0x1a: {  	_ =	shalt  }

</sc_bundles>
